<compile_context>
chip_gen: v7x
topology: tpu7x:2x2x1
jax: 0.10.2.dev20260603
libtpu: 0.0.44.dev20260713+nightly
codegen_flags: <defaults>
</compile_context>

<pallas_src>
import functools

import jax
import jax.numpy as jnp
from jax import lax
from jax.experimental import pallas as pl
from jax.experimental.pallas import tpu as pltpu
from jax.experimental.pallas import tpu_sc as plsc

_N = 2048
_NW = 32


@functools.partial(jax.jit, static_argnames=('k', 'hp', 'chunk', 'n'))
def _sc_gather_max(y, idx_flat, *, k, hp, chunk=16, n=_N):
    nodes_w = n // _NW
    mesh = plsc.VectorSubcoreMesh(core_axis_name="c", subcore_axis_name="s")

    @functools.partial(
        pl.kernel, mesh=mesh,
        out_type=jax.ShapeDtypeStruct((n, hp), jnp.float32),
        scratch_types=[
            pltpu.VMEM((chunk * k,), jnp.int32),
            pltpu.VMEM((chunk * k, hp), jnp.float32),
            pltpu.VMEM((chunk, hp), jnp.float32),
            pltpu.SemaphoreType.DMA,
        ],
    )
    def body(y_hbm, idx_hbm, out_hbm, idx_v, rows_v, out_v, sem):
        wid = lax.axis_index("s") * 2 + lax.axis_index("c")
        base = wid * nodes_w

        def chunk_body(ci, carry):
            nb = base + ci * chunk
            pltpu.sync_copy(idx_hbm.at[pl.ds(nb * k, chunk * k)], idx_v)
            pltpu.async_copy(y_hbm.at[idx_v], rows_v, sem).wait()

            def node_body(n, carry2):
                def ch_body(c, carry3):
                    def red(j, acc):
                        return jnp.maximum(acc, rows_v[n * k + j, pl.ds(c * 16, 16)])
                    acc = rows_v[n * k, pl.ds(c * 16, 16)]
                    acc = lax.fori_loop(1, k, red, acc)
                    out_v[n, pl.ds(c * 16, 16)] = acc
                    return carry3
                return lax.fori_loop(0, hp // 16, ch_body, carry2)

            lax.fori_loop(0, chunk, node_body, carry)
            pltpu.sync_copy(out_v, out_hbm.at[pl.ds(nb, chunk)])
            return carry

        lax.fori_loop(0, nodes_w // chunk, chunk_body, 0)

    return body(y, idx_flat)


_ROWS = 256


def _lex_lt(ka, va, kb, vb):
    return (ka < kb) | ((ka == kb) & (va < vb))


def _pos_topk_body(pos_ref, post_ref, out_ref):
    a = pos_ref[...]
    bt = post_ref[...]
    ab = jnp.dot(a, bt, preferred_element_type=jnp.float32)
    na = jnp.sum(a * a, axis=1, keepdims=True)
    nb = jnp.sum(bt * bt, axis=0, keepdims=True)
    d = jnp.maximum(na - 2.0 * ab + nb, 0.0)
    j = lax.broadcasted_iota(jnp.int32, (_ROWS, _N), 1)
    keys, vals = d, j
    for p in range(1, 12):
        size = 1 << p
        up = (j & size) == 0

        def stage(s, carry, up=up, p=p):
            keys, vals = carry
            stride = jnp.int32(1) << (p - 1 - s)
            bit = (j & stride) != 0
            pk = jnp.where(bit, pltpu.roll(keys, stride, 1),
                           pltpu.roll(keys, _N - stride, 1))
            pv = jnp.where(bit, pltpu.roll(vals, stride, 1),
                           pltpu.roll(vals, _N - stride, 1))
            keep_small = up == (~bit)
            want_self = _lex_lt(keys, vals, pk, pv) == keep_small
            return (jnp.where(want_self, keys, pk),
                    jnp.where(want_self, vals, pv))

        keys, vals = lax.fori_loop(0, p, stage, (keys, vals))
    out_ref[...] = vals[:, :512]


def _pos_topk512(pos):
    return pl.pallas_call(
        _pos_topk_body,
        grid=(_N // _ROWS,),
        in_specs=[pl.BlockSpec((_ROWS, 3), lambda i: (i, 0)),
                  pl.BlockSpec((3, _N), lambda i: (0, 0))],
        out_specs=pl.BlockSpec((_ROWS, 512), lambda i: (i, 0)),
        out_shape=jax.ShapeDtypeStruct((_N, 512), jnp.int32),
    )(pos, pos.T)


def _feat_topk_body(x_ref, xt_ref, out_ref, *, kk):
    a = x_ref[...]
    bt = xt_ref[...]
    ab = jnp.dot(a, bt, preferred_element_type=jnp.float32)
    na = jnp.sum(a * a, axis=1, keepdims=True)
    nb = jnp.sum(bt * bt, axis=0, keepdims=True)
    d = jnp.maximum(na - 2.0 * ab + nb, 0.0)
    j = lax.broadcasted_iota(jnp.int32, (_ROWS, _N), 1)
    jc = lax.broadcasted_iota(jnp.int32, (_ROWS, kk), 1)
    out = jnp.zeros((_ROWS, kk), jnp.int32)

    def step(i, carry):
        d, out = carry
        m = jnp.min(d, axis=1, keepdims=True)
        cand = jnp.where(d == m, j, _N)
        sel = jnp.min(cand, axis=1, keepdims=True)
        out = jnp.where(jc == i, sel, out)
        d = jnp.where(j == sel, jnp.float32(jnp.inf), d)
        return d, out

    _, out = lax.fori_loop(0, kk, step, (d, out))
    out_ref[...] = out


def _feat_topk(x, kk):
    C = x.shape[-1]
    body = functools.partial(_feat_topk_body, kk=kk)
    return pl.pallas_call(
        body,
        grid=(_N // _ROWS,),
        in_specs=[pl.BlockSpec((_ROWS, C), lambda i: (i, 0)),
                  pl.BlockSpec((C, _N), lambda i: (0, 0))],
        out_specs=pl.BlockSpec((_ROWS, kk), lambda i: (i, 0)),
        out_shape=jax.ShapeDtypeStruct((_N, kk), jnp.int32),
    )(x, x.T)


def _dot(a, b):
    return jnp.dot(a, b, preferred_element_type=jnp.float32)


def _stn_body(x_ref, w1, b1, w2, b2, w3, b3, w4, b4, w5, b5, w6, b6, out_ref):
    x = x_ref[...]
    h = jax.nn.relu(_dot(x, w1[...]) + b1[...])
    h = jax.nn.relu(_dot(h, w2[...]) + b2[...])
    h = jax.nn.relu(_dot(h, w3[...]) + b3[...])
    g = jnp.max(h, axis=0, keepdims=True)
    g = jax.nn.relu(_dot(g, w4[...]) + b4[...])
    g = jax.nn.relu(_dot(g, w5[...]) + b5[...])
    t = _dot(g, w6[...]) + b6[...]
    xt = x
    for c in range(15):
        xt = xt + x[:, c:c + 1] * t[:, 15 * c:15 * (c + 1)]
    out_ref[...] = xt


def _stn15_pl(x, p):
    args = []
    for i in range(1, 7):
        args.append(p[f'stn_W{i}'])
        args.append(p[f'stn_b{i}'][None, :])
    return pl.pallas_call(
        _stn_body,
        out_shape=jax.ShapeDtypeStruct((_N, 15), jnp.float32),
    )(x[0], *args)[None]


def _pre_body(x_ref, w_ref, y_ref):
    y_ref[...] = _dot(x_ref[...], w_ref[...][0])


def _block_pre(xi, wys):
    C = xi.shape[-1]
    return pl.pallas_call(
        _pre_body,
        grid=(4,),
        in_specs=[pl.BlockSpec((_N, C), lambda s: (0, 0)),
                  pl.BlockSpec((1, C, 128), lambda s: (s, 0, 0))],
        out_specs=pl.BlockSpec((_N, 128), lambda s: (s, 0)),
        out_shape=jax.ShapeDtypeStruct((4 * _N, 128), jnp.float32),
    )(xi, wys)


def _post_body(g_ref, x_ref, wca, bca, wcb, bcb, wcc, bcc, wcd, bcd,
               wo1, wo2, bo, wo3, wo4, bo2, out_ref, *, dims):
    ha, hb, hc, hd, co1 = dims
    x = x_ref[...]
    g = g_ref[...]
    u = jax.nn.relu(g[0 * _N:1 * _N, :ha] + _dot(x, wca[...]) + bca[...])
    v = jax.nn.relu(g[1 * _N:2 * _N, :hb] + _dot(x, wcb[...]) + bcb[...])
    hbl = jax.nn.relu(_dot(u, wo1[...]) + _dot(v, wo2[...]) + bo[...])
    u2 = jax.nn.relu(g[2 * _N:3 * _N, :hc] + _dot(x, wcc[...]) + bcc[...])
    v2 = jax.nn.relu(g[3 * _N:4 * _N, :hd] + _dot(x, wcd[...]) + bcd[...])
    hfl = jax.nn.relu(_dot(u2, wo3[...]) + _dot(v2, wo4[...]) + bo2[...])
    out_ref[...] = jnp.concatenate([hbl, hfl], axis=1)


def _block_post(g4, xi, p, pre_b, pre_f):
    C = xi.shape[-1]
    args, dims = [], []
    for pre in (pre_b, pre_f):
        Wa, Wb = p[pre + '_Wa'], p[pre + '_Wb']
        dims += [Wa.shape[1], Wb.shape[1]]
        args += [Wa[:C] - Wa[C:], p[pre + '_ba'][None],
                 Wb[:C] - Wb[C:], p[pre + '_bb'][None]]
    wargs = []
    for pre in (pre_b, pre_f):
        Wo = p[pre + '_Wo']
        H = p[pre + '_Wa'].shape[1]
        wargs += [Wo[:H], Wo[H:], p[pre + '_bo'][None]]
    co1 = p[pre_b + '_Wo'].shape[1]
    co2 = p[pre_f + '_Wo'].shape[1]
    body = functools.partial(_post_body, dims=(*dims, co1))
    return pl.pallas_call(
        body,
        out_shape=jax.ShapeDtypeStruct((_N, co1 + co2), jnp.float32),
    )(g4, xi, *args, *wargs)


def _head_a_body(x1_ref, x2_ref, x3_ref, w1a, w1b, w1c, b1, w2, b2,
                 h_ref, gm_ref):
    h = jax.nn.relu(_dot(x1_ref[...], w1a[...]) + _dot(x2_ref[...], w1b[...])
                    + _dot(x3_ref[...], w1c[...]) + b1[...])
    h = jax.nn.relu(_dot(h, w2[...]) + b2[...])
    h_ref[...] = h
    gm_ref[...] = jnp.max(h, axis=0, keepdims=True)


def _head_b_body(h_ref, gm_ref, wfi, bfi,
                 r1w1, r1b1, r1w2, r1b2, r1wp, r1bp,
                 r2w1, r2b1, r2w2, r2b2, r2wp, r2bp, wout, bout, out_ref):
    w = jax.nn.sigmoid(_dot(gm_ref[...], wfi[...]) + bfi[...])
    h = h_ref[...] * w
    t = jax.nn.relu(_dot(h, r1w1[...]) + r1b1[...])
    t = _dot(t, r1w2[...]) + r1b2[...]
    h = jax.nn.relu(t + _dot(h, r1wp[...]) + r1bp[...])
    t = jax.nn.relu(_dot(h, r2w1[...]) + r2b1[...])
    t = _dot(t, r2w2[...]) + r2b2[...]
    h = jax.nn.relu(t + _dot(h, r2wp[...]) + r2bp[...])
    out_ref[...] = _dot(h, wout[...]) + bout[...]


def _head(x1, x2, x3, p):
    c1, c2 = x1.shape[-1], x2.shape[-1]
    W1 = p['mlp1_W']
    h, gm = pl.pallas_call(
        _head_a_body,
        out_shape=[jax.ShapeDtypeStruct((_N, 1024), jnp.float32),
                   jax.ShapeDtypeStruct((1, 1024), jnp.float32)],
    )(x1[0], x2[0], x3[0], W1[:c1], W1[c1:c1 + c2], W1[c1 + c2:],
      p['mlp1_b'][None], p['mlp2_W'], p['mlp2_b'][None])
    args = [p['fi_W'], p['fi_b'][None]]
    for r in ('r1', 'r2'):
        args += [p[r + '_W1'], p[r + '_b1'][None], p[r + '_W2'], p[r + '_b2'][None],
                 p[r + '_Wp'], p[r + '_bp'][None]]
    args += [p['out_W'], p['out_b'][None]]
    wspecs = [pl.BlockSpec(a.shape, lambda i: (0, 0)) for a in args]
    return pl.pallas_call(
        _head_b_body,
        grid=(_N // _ROWS,),
        in_specs=[pl.BlockSpec((_ROWS, 1024), lambda i: (i, 0)),
                  pl.BlockSpec((1, 1024), lambda i: (0, 0))] + wspecs,
        out_specs=pl.BlockSpec((_ROWS, 17), lambda i: (i, 0)),
        out_shape=jax.ShapeDtypeStruct((_N, 17), jnp.float32),
    )(h, gm, *args)[None]


def _pad32(idx):
    k = idx.shape[1]
    if k == 32:
        return idx
    return jnp.concatenate([idx] + [idx[:, -1:]] * (32 - k), axis=1)


_BLOCKS = (
    ('b1', 'f1', (0, 32), (0, 32), (0, 240, 20), (0, 12)),
    ('b2', 'f2', (16, 48), (14, 46), (6, 360, 36), (6, 18)),
    ('b3', 'f3', (16, 48), (14, 46), (6, 540, 54), (6, 18)),
)


def kernel(x, pos, params):
    p = params
    I = _pos_topk512(pos[0])
    xi = _stn15_pl(x, p)[0]

    xs = []
    for pre_b, pre_f, s_b, s_f, s_d, (lo, hi) in _BLOCKS:
        C = xi.shape[-1]
        wys = jnp.stack(
            [jnp.pad(p[pre + sfx][C:], ((0, 0), (0, 128 - p[pre + sfx].shape[1])))
             for pre, sfx in ((pre_b, '_Wa'), (pre_b, '_Wb'),
                              (pre_f, '_Wa'), (pre_f, '_Wb'))], axis=0)
        y4 = _block_pre(xi, wys)
        J = _feat_topk(xi, hi)[:, lo:hi]
        idx4 = jnp.concatenate(
            [_pad32(I[:, s_b[0]:s_b[1]]),
             _pad32(J) + _N,
             _pad32(I[:, s_f[0]:s_f[1]]) + 2 * _N,
             _pad32(I[:, s_d[0]:s_d[1]:s_d[2]]) + 3 * _N], axis=0)
        g4 = _sc_gather_max(y4, idx4.reshape(-1), k=32, hp=128, n=4 * _N)
        xi = _block_post(g4, xi, p, pre_b, pre_f)
        xs.append(xi)

    return _head(xs[0][None], xs[1][None], xs[2][None], p)

# --- scband reference (transcript-rebuilt; emitter-appended) ---
"""Pipeline reference for scband-ddgcnet1-23089744183607 (READ-ONLY COPY).

The authoritative reference and input builder live on the scoring server;
editing this copy changes nothing except your own understanding.
"""

import jax, jax.numpy as jnp
import numpy as np


def pairwise_sq(a, b):
    d2 = (jnp.sum(a * a, -1, keepdims=True)
          - 2.0 * jnp.einsum('bnd,bmd->bnm', a, b)
          + jnp.sum(b * b, -1)[:, None, :])
    return jnp.maximum(d2, 0.0)


def knn_idx(dist, k, offset=0):
    _, idx = jax.lax.top_k(-dist, offset + k)
    return idx[..., offset:offset + k]


def gather_nb(x, idx):
    return jax.vmap(lambda xx, ii: xx[ii])(x, idx)


def edge_branch(x, idx, W, b):
    nb = gather_nb(x, idx)
    c = x[:, :, None, :]
    ef = jnp.concatenate([jnp.broadcast_to(c, nb.shape), nb - c], axis=-1)
    h = jax.nn.relu(ef @ W + b)
    return jnp.max(h, axis=2)


def dual_block(x, pos, p, pre, k, k_pos, k_dil, k_dil_pos):
    idx1 = knn_idx(pairwise_sq(pos, pos), k, k_pos)
    idx2 = knn_idx(pairwise_sq(x, x), k_dil, k_dil_pos)
    h1 = edge_branch(x, idx1, p[pre + '_Wa'], p[pre + '_ba'])
    h2 = edge_branch(x, idx2, p[pre + '_Wb'], p[pre + '_bb'])
    return jax.nn.relu(jnp.concatenate([h1, h2], -1) @ p[pre + '_Wo'] + p[pre + '_bo'])


def far_dual_block(x, cd, p, pre, all_k, k, k_pos, k_dil, k_dil_pos):
    _, idx_all = jax.lax.top_k(-cd, all_k)
    idx1 = idx_all[..., k_pos:k_pos + k]
    dil = all_k // k_dil
    idx2 = idx_all[..., k_dil_pos::dil][..., :k_dil]
    h1 = edge_branch(x, idx1, p[pre + '_Wa'], p[pre + '_ba'])
    h2 = edge_branch(x, idx2, p[pre + '_Wb'], p[pre + '_bb'])
    return jax.nn.relu(jnp.concatenate([h1, h2], -1) @ p[pre + '_Wo'] + p[pre + '_bo'])


def stn15(x, p):
    h = jax.nn.relu(x @ p['stn_W1'] + p['stn_b1'])
    h = jax.nn.relu(h @ p['stn_W2'] + p['stn_b2'])
    h = jax.nn.relu(h @ p['stn_W3'] + p['stn_b3'])
    g = jnp.max(h, axis=1)
    g = jax.nn.relu(g @ p['stn_W4'] + p['stn_b4'])
    g = jax.nn.relu(g @ p['stn_W5'] + p['stn_b5'])
    t = (g @ p['stn_W6'] + p['stn_b6']).reshape(-1, 15, 15) + jnp.eye(15, dtype=x.dtype)[None]
    return jnp.einsum('bnc,bcd->bnd', x, t)


def res_block(x, p, pre):
    h = jax.nn.relu(x @ p[pre + '_W1'] + p[pre + '_b1'])
    h = h @ p[pre + '_W2'] + p[pre + '_b2']
    return jax.nn.relu(h + x @ p[pre + '_Wp'] + p[pre + '_bp'])


def forward(x, pos, params):
    p = params
    cd = pairwise_sq(pos, pos)
    x = stn15(x, p)
    x1 = jnp.concatenate([dual_block(x, pos, p, 'b1', 32, 0, 12, 0),
                          far_dual_block(x, cd, p, 'f1', 240, 32, 0, 12, 0)], -1)
    x2 = jnp.concatenate([dual_block(x1, pos, p, 'b2', 32, 16, 12, 6),
                          far_dual_block(x1, cd, p, 'f2', 360, 32, 14, 10, 6)], -1)
    x3 = jnp.concatenate([dual_block(x2, pos, p, 'b3', 32, 16, 12, 6),
                          far_dual_block(x2, cd, p, 'f3', 540, 32, 14, 10, 6)], -1)
    h = jnp.concatenate([x1, x2, x3], -1)
    h = jax.nn.relu(h @ p['mlp1_W'] + p['mlp1_b'])
    h = jax.nn.relu(h @ p['mlp2_W'] + p['mlp2_b'])
    w = jax.nn.sigmoid(jnp.max(h, axis=1) @ p['fi_W'] + p['fi_b'])
    h = h * w[:, None, :]
    h = res_block(h, p, 'r1')
    h = res_block(h, p, 'r2')
    return h @ p['out_W'] + p['out_b']


def _param_shapes():
    s = {'stn_W1': (15, 64), 'stn_b1': (64,), 'stn_W2': (64, 128), 'stn_b2': (128,),
         'stn_W3': (128, 1024), 'stn_b3': (1024,), 'stn_W4': (1024, 512), 'stn_b4': (512,),
         'stn_W5': (512, 256), 'stn_b5': (256,), 'stn_W6': (256, 225), 'stn_b6': (225,)}

    def blk(pre, cin, hid, cout):
        s[pre + '_Wa'] = (2 * cin, hid); s[pre + '_ba'] = (hid,)
        s[pre + '_Wb'] = (2 * cin, hid); s[pre + '_bb'] = (hid,)
        s[pre + '_Wo'] = (2 * hid, cout); s[pre + '_bo'] = (cout,)

    blk('b1', 15, 24, 24); blk('f1', 15, 36, 36)
    blk('b2', 60, 48, 48); blk('f2', 60, 72, 72)
    blk('b3', 120, 80, 80); blk('f3', 120, 120, 120)
    s.update({'mlp1_W': (380, 512), 'mlp1_b': (512,), 'mlp2_W': (512, 1024), 'mlp2_b': (1024,),
              'fi_W': (1024, 1024), 'fi_b': (1024,),
              'r1_W1': (1024, 512), 'r1_b1': (512,), 'r1_W2': (512, 512), 'r1_b2': (512,),
              'r1_Wp': (1024, 512), 'r1_bp': (512,),
              'r2_W1': (512, 256), 'r2_b1': (256,), 'r2_W2': (256, 256), 'r2_b2': (256,),
              'r2_Wp': (512, 256), 'r2_bp': (256,),
              'out_W': (256, 17), 'out_b': (17,)})
    return s


def setup_inputs(seed: int = 0):
    key = jax.random.key(seed)
    kx, kp, kw = jax.random.split(key, 3)
    B, N = 1, 2048
    x = jax.random.normal(kx, (B, N, 15), dtype=jnp.float32)
    pos = jax.random.normal(kp, (B, N, 3), dtype=jnp.float32)
    params = {}
    for i, (name, shp) in enumerate(sorted(_param_shapes().items())):
        params[name] = jax.random.normal(jax.random.fold_in(kw, i), shp, dtype=jnp.float32) * 0.05
    return {'x': x, 'pos': pos, 'params': params}


def reference(x, pos, params):
    return forward(x, pos, params)

if __name__ == "__main__":
    import jax
    _d = setup_inputs()
    print(jax.jit(kernel)(*tuple(_d.values())))

</pallas_src>

<mosaic_0001>
#map = affine_map<(d0, d1) -> (0, 0)>
#map1 = affine_map<(d0, d1) -> (0)>
module attributes {stable_mosaic.version = 14 : i64} {
  func.func @body(%arg0: i32, %arg1: i32, %arg2: memref<8192x128xf32, #tpu.memory_space<hbm>>, %arg3: memref<262144xi32, #tpu.memory_space<hbm>>, %arg4: memref<8192x128xf32, #tpu.memory_space<hbm>>, %arg5: memref<512xi32, #tpu.memory_space<vmem>>, %arg6: memref<512x128xf32, #tpu.memory_space<vmem>>, %arg7: memref<16x128xf32, #tpu.memory_space<vmem>>, %arg8: memref<!tpu.dma_semaphore, #tpu.memory_space<semaphore_mem>>) attributes {dimension_semantics = [#tpu.dimension_semantics<core_parallel>, #tpu.dimension_semantics<subcore_parallel>], iteration_bounds = array<i64: 2, 16>, scalar_prefetch = 0 : i64, scratch_operands = 4 : i64, tpu.core_type = #tpu.core_type<sc_vector_subcore>, window_params = [{transform_indices = #map}, {transform_indices = #map1}, {transform_indices = #map}]} {
    %mul3A = arith.constant 2 : i32
    %mul3A_0 = arith.muli %arg1, %mul3A : i32
    %add3A = arith.addi %mul3A_0, %arg0 : i32
    %mul3A_1 = arith.constant 256 : i32
    %mul3A_2 = arith.muli %add3A, %mul3A_1 : i32
    %scan3A = arith.constant 0 : i32
    %scan3A_3 = arith.constant 0 : i32
    %scan3A_4 = arith.constant 16 : i32
    %scan3A_5 = arith.addi %scan3A_3, %scan3A_4 : i32
    %scan3A_6 = arith.constant 1 : i32
    scf.for %scan3A_8 = %scan3A_3 to %scan3A_5 step %scan3A_6  : i32 {
      %mul3A_9 = arith.constant 16 : i32
      %mul3A_10 = arith.muli %scan3A_8, %mul3A_9 : i32
      %add3A_11 = arith.addi %mul3A_2, %mul3A_10 : i32
      %mul3A_12 = arith.constant 32 : i32
      %mul3A_13 = arith.muli %add3A_11, %mul3A_12 : i32
      "tpu.region"() ({
        %run_scoped3A = tpu.sem_alloc : memref<!tpu.dma_semaphore, #tpu.memory_space<semaphore_mem>>
        %dma_start3A_23 = tpu.memref_slice %arg3[%mul3A_13] : memref<262144xi32, #tpu.memory_space<hbm>> -> memref<512xi32, #tpu.memory_space<hbm>>
        %dma_start3A_24 = tpu.memref_slice %arg3[%mul3A_13] : memref<262144xi32, #tpu.memory_space<hbm>> -> memref<512xi32, #tpu.memory_space<hbm>>
        tpu.enqueue_dma source(%dma_start3A_24 : memref<512xi32, #tpu.memory_space<hbm>>) target(%arg5 : memref<512xi32, #tpu.memory_space<vmem>>) target_semaphore(%run_scoped3A : memref<!tpu.dma_semaphore, #tpu.memory_space<semaphore_mem>>)
        %dma_wait3A_25 = tpu.memref_slice %arg3[%mul3A_13] : memref<262144xi32, #tpu.memory_space<hbm>> -> memref<512xi32, #tpu.memory_space<hbm>>
        %dma_wait3A_26 = tpu.memref_slice %arg3[%mul3A_13] : memref<262144xi32, #tpu.memory_space<hbm>> -> memref<512xi32, #tpu.memory_space<hbm>>
        tpu.wait_dma2 semaphore(%run_scoped3A : memref<!tpu.dma_semaphore, #tpu.memory_space<semaphore_mem>>) src(%dma_wait3A_26 : memref<512xi32, #tpu.memory_space<hbm>>) dst(%arg5 : memref<512xi32, #tpu.memory_space<vmem>>)
        tpu.yield
      }) : () -> ()
      %dma_start3A = arith.constant 0 : i32
      %dma_start3A_14 = arith.constant 0 : i32
      %dma_start3A_15 = tpu.memref_slice %arg2[%dma_start3A, %dma_start3A_14] : memref<8192x128xf32, #tpu.memory_space<hbm>> -> memref<8192x128xf32, #tpu.memory_space<hbm>>
      tpu.enqueue_indirect_dma source(%dma_start3A_15 : memref<8192x128xf32, #tpu.memory_space<hbm>>) target(%arg6 : memref<512x128xf32, #tpu.memory_space<vmem>>) offsets(%arg5 : memref<512xi32, #tpu.memory_space<vmem>>) semaphore(%arg8 : memref<!tpu.dma_semaphore, #tpu.memory_space<semaphore_mem>>)
      %dma_wait3A = arith.constant 0 : i32
      %dma_wait3A_16 = arith.constant 0 : i32
      %dma_wait3A_17 = tpu.memref_slice %arg2[%dma_wait3A, %dma_wait3A_16] : memref<8192x128xf32, #tpu.memory_space<hbm>> -> memref<8192x128xf32, #tpu.memory_space<hbm>>
      tpu.wait_indirect_dma semaphore(%arg8 : memref<!tpu.dma_semaphore, #tpu.memory_space<semaphore_mem>>) src(%dma_wait3A_17 : memref<8192x128xf32, #tpu.memory_space<hbm>>) dst(%arg6 : memref<512x128xf32, #tpu.memory_space<vmem>>)
      %scan3A_18 = arith.constant 0 : i32
      %scan3A_19 = arith.constant 16 : i32
      %scan3A_20 = arith.addi %scan3A_18, %scan3A_19 : i32
      %scan3A_21 = arith.constant 1 : i32
      scf.for %scan3A_23 = %scan3A_18 to %scan3A_20 step %scan3A_21  : i32 {
        %scan3A_24 = arith.constant 0 : i32
        %scan3A_25 = arith.constant 8 : i32
        %scan3A_26 = arith.addi %scan3A_24, %scan3A_25 : i32
        %scan3A_27 = arith.constant 1 : i32
        scf.for %scan3A_29 = %scan3A_24 to %scan3A_26 step %scan3A_27  : i32 {
          %mul3A_30 = arith.constant 32 : i32
          %mul3A_31 = arith.muli %scan3A_23, %mul3A_30 : i32
          %mul3A_32 = arith.constant 16 : i32
          %mul3A_33 = arith.muli %scan3A_29, %mul3A_32 : i32
          %get3A = arith.index_cast %mul3A_31 : i32 to index
          %get3A_34 = arith.index_cast %mul3A_33 : i32 to index
          %get3A_35 = tpu.vector_load %arg6[%get3A, %get3A_34] {strides = array<i32>} : memref<512x128xf32, #tpu.memory_space<vmem>>, vector<1x16xf32>,
          %get3A_36 = vector.shape_cast %get3A_35 : vector<1x16xf32> to vector<16xf32>
          %scan3A_37 = arith.constant 1 : i32
          %scan3A_38 = arith.constant 31 : i32
          %scan3A_39 = arith.addi %scan3A_37, %scan3A_38 : i32
          %scan3A_40 = arith.constant 1 : i32
          %scan3A_41 = scf.for %scan3A_49 = %scan3A_37 to %scan3A_39 step %scan3A_40 iter_args(%scan3A_50 = %get3A_36) -> (vector<16xf32>)  : i32 {
            %mul3A_51 = arith.constant 32 : i32
            %mul3A_52 = arith.muli %scan3A_23, %mul3A_51 : i32
            %add3A_53 = arith.addi %mul3A_52, %scan3A_49 : i32
            %mul3A_54 = arith.constant 16 : i32
            %mul3A_55 = arith.muli %scan3A_29, %mul3A_54 : i32
            %get3A_56 = arith.index_cast %add3A_53 : i32 to index
            %get3A_57 = arith.index_cast %mul3A_55 : i32 to index
            %get3A_58 = tpu.vector_load %arg6[%get3A_56, %get3A_57] {strides = array<i32>} : memref<512x128xf32, #tpu.memory_space<vmem>>, vector<1x16xf32>,
            %get3A_59 = vector.shape_cast %get3A_58 : vector<1x16xf32> to vector<16xf32>
            %max3A = arith.maximumf %scan3A_50, %get3A_59 : vector<16xf32>
            scf.yield %max3A : vector<16xf32>
          }
          %scan3A_42 = arith.constant 31 : i32
          %mul3A_43 = arith.constant 16 : i32
          %mul3A_44 = arith.muli %scan3A_29, %mul3A_43 : i32
          %swap3A = arith.index_cast %scan3A_23 : i32 to index
          %swap3A_45 = arith.index_cast %mul3A_44 : i32 to index
          %swap3A_46 = tpu.vector_load %arg7[%swap3A, %swap3A_45] {strides = array<i32>} : memref<16x128xf32, #tpu.memory_space<vmem>>, vector<1x16xf32>,
          %swap3A_47 = vector.shape_cast %swap3A_46 : vector<1x16xf32> to vector<16xf32>
          %swap3A_48 = vector.shape_cast %scan3A_41 : vector<16xf32> to vector<1x16xf32>
          tpu.vector_store %arg7[%swap3A, %swap3A_45], %swap3A_48 {strides = array<i32>} : memref<16x128xf32, #tpu.memory_space<vmem>>, vector<1x16xf32>,
        }
        %scan3A_28 = arith.constant 8 : i32
      }
      %scan3A_22 = arith.constant 16 : i32
      "tpu.region"() ({
        %run_scoped3A = tpu.sem_alloc : memref<!tpu.dma_semaphore, #tpu.memory_space<semaphore_mem>>
        %dma_start3A_23 = arith.constant 0 : i32
        %dma_start3A_24 = tpu.memref_slice %arg4[%add3A_11, %dma_start3A_23] : memref<8192x128xf32, #tpu.memory_space<hbm>> -> memref<16x128xf32, #tpu.memory_space<hbm>>
        %dma_start3A_25 = arith.constant 0 : i32
        %dma_start3A_26 = tpu.memref_slice %arg4[%add3A_11, %dma_start3A_25] : memref<8192x128xf32, #tpu.memory_space<hbm>> -> memref<16x128xf32, #tpu.memory_space<hbm>>
        tpu.enqueue_dma source(%arg7 : memref<16x128xf32, #tpu.memory_space<vmem>>) target(%dma_start3A_26 : memref<16x128xf32, #tpu.memory_space<hbm>>) target_semaphore(%run_scoped3A : memref<!tpu.dma_semaphore, #tpu.memory_space<semaphore_mem>>)
        %dma_wait3A_27 = arith.constant 0 : i32
        %dma_wait3A_28 = tpu.memref_slice %arg4[%add3A_11, %dma_wait3A_27] : memref<8192x128xf32, #tpu.memory_space<hbm>> -> memref<16x128xf32, #tpu.memory_space<hbm>>
        %dma_wait3A_29 = arith.constant 0 : i32
        %dma_wait3A_30 = tpu.memref_slice %arg4[%add3A_11, %dma_wait3A_29] : memref<8192x128xf32, #tpu.memory_space<hbm>> -> memref<16x128xf32, #tpu.memory_space<hbm>>
        tpu.wait_dma2 semaphore(%run_scoped3A : memref<!tpu.dma_semaphore, #tpu.memory_space<semaphore_mem>>) src(%arg7 : memref<16x128xf32, #tpu.memory_space<vmem>>) dst(%dma_wait3A_30 : memref<16x128xf32, #tpu.memory_space<hbm>>)
        tpu.yield
      }) : () -> ()
    }
    %scan3A_7 = arith.constant 16 : i32
    return
  }
}

</mosaic_0001>

<sc_bundles>
// kernel: _sc_gather_max.3.cloned.1.call-start
scs
__scs_entry_jumppad:
0x0: {  	(pc) =	sbr.rel $0x88, $3  }
0x1: {  	(tag) =	ssettag $0x0;
	lr =	simm.s32 $0x1  }
0x2: {  	[smem:$0x3F9F] =	sst lr;
	_ =	strace $0xD0000000  }
0x3: {  	_ = 	snop  }
0x4: {  	_ = 	snop  }
0x5: {  	_ = 	snop  }
0x6: {  	_ = 	snop  }
0x7: {  	_ = 	snop  }
__scs_overlays_trampoline_lowered:
0x8: {  	[smem:$0x3FAE] =	sst s0  }
0x9: {  	[smem:$0x3FAF] =	sst s1  }
0xa: {  	[smem:$0x3FB0] =	sst s2  }
0xb: {  	[smem:$0x3FB1] =	sst s3  }
0xc: {  	[smem:$0x3FB2] =	sst s4  }
0xd: {  	[smem:$0x3FB3] =	sst s5  }
0xe: {  	[smem:$0x3FB4] =	sst s6  }
0xf: {  	[smem:$0x3FB5] =	sst s7  }
0x10: {  	[smem:$0x3FB6] =	sst s8  }
0x11: {  	[smem:$0x3FB7] =	sst s9;
	s0 =	simm.s32 @!p0 $0x0  }
0x12: {  	s1 =	sld [smem:$0x3F9D];
	s0 =	simm.s32 @p0 $0x1  }
0x13: {  	[smem:$0x3FB8] =	sst s0;
	s0 =	simm.s32 @!p1 $0x0  }
0x14: {  	s2 =	sld [smem:$0x3F9C];
	s0 =	simm.s32 @p1 $0x1  }
0x15: {  	[smem:$0x3FB9] =	sst s0;
	s0 =	simm.s32 @!p2 $0x0  }
0x16: {  	s3 =	sld [smem:$0x3FDB];
	s0 =	simm.s32 @p2 $0x1  }
0x17: {  	s4 =	simm.s32 $0x1BF5;
	[smem:$0x3FBB] =	sst s0  }
0x18: {  	s0 =	sld [smem:$0x3F9E];
	_ =	swait.ge [sflag:s4], $0x0  }
0x19: {  	s7 =	sld [smem:$0x3F9F]  }
0x1a: {  	s8 =	sadd.s32 $0xFFFFE003, lr  }
0x1b: {  	s9 =	sadd.s32 $0xFFFFFEF7, lr;
	s5 =	simm.s32 $0xFFFFFFFF;
	p2 =	slt.u32 s8, $0xFFFFF086  }
0x1c: {  	p1 =	slt.u32 s9, $0xF7A;
	s5 =	simm.s32 @!p2 $0x0  }
0x1d: {  	s5 =	simm.s32 @p1 $0x1;
	p0 =	seq.s32 s7, s2  }
0x1e: {  	s7 =	smul.u32 @!p0 $0xF7A, s2;
	p2 =	seq.s32 @!p0 s5, $0x0  }
0x1f: {  	s9 =	smul.u32 $0xF7A, s1;
	s8 =	simm.s32 @!p0 $0x1BF5;
	p2 =	por !p2, p0  }
0x20: {  	[sflag:s8] =	ssyncset.s32 @!p0 $0xFFFFF086;
	s6 =	sadd.s32 @!p0 s3, s7;
	s7 =	simm.s32 @!p0 $0x108  }
0x21: {  	s3 =	sadd.s32 s3, s9;
	s6 =	sadd.s32 @!p0 $0x88, s6;
	s7 =	simm.s32 @p2 $0x1082  }
0x22: {  	[simem:s7], [sflag:s8] =	dma.local @!p0 [hbm:s6], $0xF7A  }
0x23: {  	s9 =	sor.u32 $0xD0000000, s2;
	s6 =	simm.s32 $0x108;
	_ =	swait.ge @!p0 [sflag:s8], $0x0  }
0x24: {  	s3 =	sadd.s32 $0x88, s3;
	s6 =	simm.s32 @!p1 $0x1082;
	[sflag:s4] =	ssyncset.s32 $0xFFFFF086  }
0x25: {  	[simem:s6], [sflag:s4] =	dma.local [hbm:s3], $0xF7A  }
0x26: {  	[smem:$0x3F9F] =	sst s1;
	(tag) =	ssettag s2;
	_ =	strace s9  }
0x27: {  	s1 =	sld [smem:$0x3FAF]  }
0x28: {  	s2 =	sld [smem:$0x3FB0]  }
0x29: {  	s4 =	sld [smem:$0x3FB2]  }
0x2a: {  	p0 =	seq.s32 s5, $0x0;
	s5 =	sld [smem:$0x3FB3]  }
0x2b: {  	s6 =	sld [smem:$0x3FB4]  }
0x2c: {  	s7 =	sld [smem:$0x3FB5]  }
0x2d: {  	s3 =	simm.s32 $0x108;
	s8 =	sld [smem:$0x3FB6]  }
0x2e: {  	s3 =	simm.s32 @!p0 $0x1082;
	s9 =	sld [smem:$0x3FB7]  }
0x2f: {  	lr =	sadd.s32 s0, s3;
	s0 =	sld [smem:$0x3FAE]  }
0x30: {  	s3 =	sld [smem:$0x3FB1]  }
0x31: {  	[smem:$0x3FBA] =	sst s10  }
0x32: {  	s10 =	sld [smem:$0x3FB8];
	_ =	sdelay $0x3  }
0x33: {  	p0 =	seq.s32 s10, $0x1;
	s10 =	sld [smem:$0x3FBA];
	_ =	sdelay $0x3  }
0x34: {  	[smem:$0x3FBA] =	sst s10  }
0x35: {  	s10 =	sld [smem:$0x3FB9];
	_ =	sdelay $0x3  }
0x36: {  	p1 =	seq.s32 s10, $0x1;
	s10 =	sld [smem:$0x3FBA];
	_ =	sdelay $0x3  }
0x37: {  	[smem:$0x3FBA] =	sst s10  }
0x38: {  	s10 =	sld [smem:$0x3FBB]  }
0x39: {  	_ = 	snop;
	(pc) =	sbr.ind lr, $3  }
0x3a: {  	_ = 	snop  }
0x3b: {  	_ = 	snop  }
0x3c: {  	p2 =	seq.s32 s10, $0x1;
	s10 =	sld [smem:$0x3FBA]  }
0x3d: {  	_ =	shalt  }
0x3e: {  	_ =	shalt  }
0x3f: {  	_ =	shalt  }
0x40: {  	_ =	shalt  }
0x41: {  	_ =	shalt  }
0x42: {  	_ =	shalt  }
0x43: {  	_ =	shalt  }
0x44: {  	_ =	shalt  }
0x45: {  	_ =	shalt  }
0x46: {  	_ =	shalt  }
0x47: {  	_ =	shalt  }
0x48: {  	_ =	shalt  }
0x49: {  	_ =	shalt  }
0x4a: {  	_ =	shalt  }
0x4b: {  	_ =	shalt  }
0x4c: {  	_ =	shalt  }
0x4d: {  	_ =	shalt  }
0x4e: {  	_ =	shalt  }
0x4f: {  	_ =	shalt  }
0x50: {  	_ =	shalt  }
0x51: {  	_ =	shalt  }
0x52: {  	_ =	shalt  }
0x53: {  	_ =	shalt  }
0x54: {  	_ =	shalt  }
0x55: {  	_ =	shalt  }
0x56: {  	_ =	shalt  }
0x57: {  	_ =	shalt  }
0x58: {  	_ =	shalt  }
0x59: {  	_ =	shalt  }
0x5a: {  	_ =	shalt  }
0x5b: {  	_ =	shalt  }
0x5c: {  	_ =	shalt  }
0x5d: {  	_ =	shalt  }
0x5e: {  	_ =	shalt  }
0x5f: {  	_ =	shalt  }
0x60: {  	_ =	shalt  }
0x61: {  	_ =	shalt  }
0x62: {  	_ =	shalt  }
0x63: {  	_ =	shalt  }
0x64: {  	_ =	shalt  }
0x65: {  	_ =	shalt  }
0x66: {  	_ =	shalt  }
0x67: {  	_ =	shalt  }
0x68: {  	_ =	shalt  }
0x69: {  	_ =	shalt  }
0x6a: {  	_ =	shalt  }
0x6b: {  	_ =	shalt  }
0x6c: {  	_ =	shalt  }
0x6d: {  	_ =	shalt  }
0x6e: {  	_ =	shalt  }
0x6f: {  	_ =	shalt  }
0x70: {  	_ =	shalt  }
0x71: {  	_ =	shalt  }
0x72: {  	_ =	shalt  }
0x73: {  	_ =	shalt  }
0x74: {  	_ =	shalt  }
0x75: {  	_ =	shalt  }
0x76: {  	_ =	shalt  }
0x77: {  	_ =	shalt  }
0x78: {  	_ =	shalt  }
0x79: {  	_ =	shalt  }
0x7a: {  	_ =	shalt  }
0x7b: {  	_ =	shalt  }
0x7c: {  	_ =	shalt  }
0x7d: {  	_ =	shalt  }
0x7e: {  	_ =	shalt  }
0x7f: {  	_ =	shalt  }
0x80: {  	_ =	shalt  }
0x81: {  	_ =	shalt  }
0x82: {  	_ =	shalt  }
0x83: {  	_ =	shalt  }
0x84: {  	_ =	shalt  }
0x85: {  	_ =	shalt  }
0x86: {  	_ =	shalt  }
0x87: {  	_ =	shalt  }
.Lfunc_end0:
.L_simem_size_0:
called_computation_lowered:
.L_overlay_start_0:
0x88: {  	s2 =	sld [smem:$0x3FD9]  }
0x89: {  	s3 =	sld [smem:$0x3FFE];
	_ =	sdelay $0x1  }
0x8a: {  	s1 =	srdreg.scid  }
0x8b: {  	s0 =	sand.u32 $0x1, s1  }
0x8c: {  	s18 =	sshll.u32 s0, $0xA;
	s2 =	sadd.s32 s3, s2  }
0x8d: {  	s2 =	sadd.s32 s2, s18  }
0x8e: {  	[smem:$0x3FC6] =	sst s2  }
0x8f: {  	_ = 	snop  }
0x90: {  	s2 =	sld [smem:$0x3FC9]  }
0x91: {  	s19 =	sld [smem:$0x3FC8]  }
0x92: {  	s4 =	sld [smem:$0x3FD0];
	(tm) =	ssettm $0x1  }
0x93: {  	s5 =	sld [smem:$0x3FFB];
	_ =	sdelay $0x3  }
0x94: {  	_ =	strace s5  }
0x95: {  	s5 =	sld [smem:$0x3FFC];
	_ =	sdelay $0x3  }
0x96: {  	_ =	strace s5  }
0x97: {  	s5 =	sld [smem:$0x3FFD];
	_ =	sdelay $0x3  }
0x98: {  	_ =	strace s5  }
0x99: {  	_ =	strace $0x8FFFFFFF  }
0x9a: {  	s20 =	sld [smem:$0x3FDB];
	_ =	sdelay $0x1  }
0x9b: {  	s6 =	simm.s32 $_scs_section_size  }
0x9c: {  	s7 =	simm.s32 $_size__tile_overlayer_lowered;
	s8 =	simm.s32 $_tile_overlayer_lowered  }
0x9d: {  	s23 =	simm.s32 $0x1BFF;
	s22 =	sshll.u32 s8, $0x1;
	s5 =	sadd.s32 s6, s20  }
0x9e: {  	s9 =	simm.s32 $0x0;
	s21 =	sshll.u32 s7, $0x1;
	s7 =	sadd.s32 s22, s5  }
0x9f: {  	[timem:s9], [sflag:s23] =	dma.local [hbm:s7], s21  }
0xa0: {  	_ =	swait.ge [sflag:s23], s21  }
0xa1: {  	s6 =	ssub.s32 $0x0, s21;
	[sflag:s23] =	ssyncset.done $0x0  }
0xa2: {  	[sflag:s23] =	ssyncadd.s32 s6;
	_ =	sdelay $0x1  }
0xa3: {  	s24 =	simm.s32 $0x1B8B  }
0xa4: {  	_ =	swait.ge [sflag:s24], $0x1  }
0xa5: {  	[sflag:s24] =	ssyncset.done $0x0  }
0xa6: {  	s25 =	simm.s32 $0x1B8E;
	[sflag:s24] =	ssyncadd.s32 $0xFFFFFFFF  }
0xa7: {  	s26 =	simm.s32 $execute0_lowered;
	[smem:$0x3FD2] =	sst s25  }
0xa8: {  	s6 =	sshll.u32 s26, $0x1;
	_ =	strace $0x80000046;
	[dreg:$0x1] =	wrdreg $0xFFFFFFFF  }
0xa9: {  	s28 =	simm.s32 $_size_execute0_lowered;
	s5 =	sadd.s32 s5, s6;
	[dreg:$0x0] =	wrdreg $0x0  }
0xaa: {  	s6 =	sshll.u32 s28, $0x1;
	[dreg:$0x2] =	wrdreg s5  }
0xab: {  	[dreg:$0x3] =	wrdreg s6  }
0xac: {  	[dreg:$0x4] =	wrdreg $0xC0  }
0xad: {  	_ =	task [dreg:s9], $0x5FFFF  }
0xae: {  	[dreg:$0x1] =	wrdreg $0xFFFFFFFF  }
0xaf: {  	[dreg:$0x0] =	wrdreg $0x60  }
0xb0: {  	[dreg:$0x2] =	wrdreg s2  }
0xb1: {  	[dreg:$0x3] =	wrdreg s19  }
0xb2: {  	[dreg:$0x4] =	wrdreg s4  }
0xb3: {  	[dreg:$0x5] =	wrdreg $0x9  }
0xb4: {  	_ =	task.clear_ibuf [dreg:s9], $0x6FFFF;
	_ =	strace $0x90000046  }
0xb5: {  	s29 =	simm.s32 $0x9;
	_ =	strace $0x80000048  }
0xb6: {  	_ =	swait.ge [sflag:s29], $0x1  }
0xb7: {  	[sflag:s29] =	ssyncadd.s32 $0xFFFFFFFF  }
0xb8: {  	_ =	strace $0x90000048  }
0xb9: {  	_ =	sfence  }
0xba: {  	s30 =	sld [smem:$0x0];
	_ =	sdelay $0x2  }
0xbb: {  	s31 =	sshll.u32 s1, $0xD;
	s1 =	sshrl.u32 s1, $0x2  }
0xbc: {  	s3 =	sand.u32 $0x4000, s31;
	s1 =	sadd.s32 s1, s30  }
0xbd: {  	s0 =	sor.u32 s3, s0;
	s1 =	sshll.u32 s1, $0x11  }
0xbe: {  	s0 =	sor.u32 s1, s0  }
0xbf: {  	s0 =	sadd.s32 $0x8F2B, s0  }
0xc0: {  	[sflag:s0] =	ssyncadd.remote.s32 $0x1  }
0xc1: {  	_ =	sfence.sel $0xFFFF  }
0xc2: {  	[dreg:$0x0] =	wrdreg $0xFFFFFFFF;
	(pc) =	sbr.abs _section_cstart, $3  }
0xc3: {  	[dreg:$0x1] =	wrdreg $0xFFFFFFFF  }
0xc4: {  	_ =	task.clear_ibuf [dreg:s9], $0x2FFFF;
	_ =	strace $0x9FFFFFFF  }
0xc5: {  	(tm) =	ssettm $0x7FFFFFFF  }
tec
execute0_lowered:
.L_overlay_start_1:
0x0: {  	(tag) =	ssettag $0x1  }
0x1: {  	s1 =	rddreg [dreg:$0x0]  }
0x2: {  	s2 =	rddreg [dreg:$0x1]  }
0x3: {  	s3 =	rddreg [dreg:$0x2];
	s4 =	srdreg.scid  }
0x4: {  	s0 =	rddreg [dreg:$0x3];
	s5 =	simm.s32 $0x0;
	s10 =	simm.s32 $0x1  }
0x5: {  	s11 =	simm.s32 $0x10200;
	s12 =	simm.s32 $0x0;
	s6 =	sand.u32 $0x1, s4  }
0x6: {  	[smem:$0x7FF] =	sst s5;
	s4 =	stileid.u32;
	s7 =	ssub.s32 $0x2, s6  }
0x7: {  	s9 =	sshll.u32 s4, $0x9;
	s6 =	sshll.u32 s6, $0x8;
	s8 =	sshrl.u32 s7, $0x1  }
0x8: {  	_ =	strace $0x80000047;
	s6 =	sor.u32 s6, s9;
	s7 =	ssub.s32 s7, s8  }
0x9: {  	s9 =	simm.s32 $0x200;
	s8 =	simm.s32 $0x2;
	s7 =	smax.u32 s7, $0x1  }
.LBB2_1:
0xa: {  	s13 =	simm.s32 $0x0  }
.LBB2_2:
0xb: {  	s14 =	sshll.u32 s13, $0x4  }
0xc: {  	s14 =	sadd.s32 s6, s14  }
0xd: {  	s15 =	sshll.u32 s14, $0x2  }
0xe: {  	s16 =	sadd.s32 s2, s15;
	s15 =	simm.s32 $0x0  }
0xf: {  	[tilespmem:s15], [sflag:$0x2] =	stream.linear.gather [hbm4b:s16+s15], $0x200, $0x38;
	[tilespmem:$0x10A00] =	vst v63  }
0x10: {  	_ =	swait.ge [sflag:s8], $0x200  }
0x11: {  	[sflag:s8] =	ssyncset.done $0x0  }
0x12: {  	[sflag:s8] =	ssyncadd.s32 $0xFFFFFE00  }
0x13: {  	[tilespmem:s9], [sflag:$0x1] =	stream.indirect.gather [hbm4b:s1+s9], $0x80, s15, s9, $0xb8;
	[tilespmem:$0x10A00] =	vst v63  }
0x14: {  	_ =	swait.ge [sflag:s10], $0x10000  }
0x15: {  	[sflag:s10] =	ssyncset.done $0x0  }
0x16: {  	s17 =	simm.s32 $0xA00;
	s16 =	simm.s32 $0x10200;
	[sflag:s10] =	ssyncadd.s32 $0xFFFF0000  }
.LBB2_3:
0x17: {  	v1 =	vmov s17;
	_ =	sdelay $0x3  }
0x18: {  	s18 =	simm.s32 $0x0  }
0x19: {  	v0 =	vmov s16;
	s19 =	simm.s32 $0x40;
	v2 =	vld.idx.msk [tilespmem:v1+s18+$0xFFFFF880 ss:$0x1], $0xffff  }
.LBB2_4:
0x1a: {  	p0 =	sne.s32 s19, $0x1C0;
	v3 =	vld.idx.msk [tilespmem:v1+s18+$0xFFFFF800 ss:$0x1], $0xffff  }
0x1b: {  	v4 =	vld.idx.msk [tilespmem:v1+s18+$0xFFFFF900 ss:$0x1], $0xffff  }
0x1c: {  	v5 =	vld.idx.msk [tilespmem:v1+s18+$0xFFFFF980 ss:$0x1], $0xffff  }
0x1d: {  	v6 =	vld.idx.msk [tilespmem:v1+s18+$0xFFFFFA00 ss:$0x1], $0xffff  }
0x1e: {  	v7 =	vld.idx.msk [tilespmem:v1+s18+$0xFFFFFA80 ss:$0x1], $0xffff  }
0x1f: {  	v8 =	vld.idx.msk [tilespmem:v1+s18+$0xFFFFFB00 ss:$0x1], $0xffff  }
0x20: {  	v2 =	vmax.f32 v3, v2;
	v3 =	vld.idx.msk [tilespmem:v1+s18+$0xFFFFFB80 ss:$0x1], $0xffff  }
0x21: {  	v2 =	vmax.f32 v2, v4;
	v4 =	vld.idx.msk [tilespmem:v1+s18+$0xFFFFFC00 ss:$0x1], $0xffff  }
0x22: {  	v2 =	vmax.f32 v2, v5;
	v5 =	vld.idx.msk [tilespmem:v1+s18+$0xFFFFFC80 ss:$0x1], $0xffff  }
0x23: {  	v2 =	vmax.f32 v2, v6;
	v6 =	vld.idx.msk [tilespmem:v1+s18+$0xFFFFFD00 ss:$0x1], $0xffff  }
0x24: {  	v2 =	vmax.f32 v2, v7;
	v7 =	vld.idx.msk [tilespmem:v1+s18+$0xFFFFFD80 ss:$0x1], $0xffff  }
0x25: {  	v2 =	vmax.f32 v2, v8;
	v8 =	vld.idx.msk [tilespmem:v1+s18+$0xFFFFFE00 ss:$0x1], $0xffff  }
0x26: {  	v2 =	vmax.f32 v2, v3;
	v3 =	vld.idx.msk [tilespmem:v1+s18+$0xFFFFFE80 ss:$0x1], $0xffff  }
0x27: {  	v2 =	vmax.f32 v2, v4;
	v4 =	vld.idx.msk [tilespmem:v1+s18+$0xFFFFFF00 ss:$0x1], $0xffff  }
0x28: {  	v2 =	vmax.f32 v2, v5;
	v5 =	vld.idx.msk [tilespmem:v1+s18+$0xFFFFFF80 ss:$0x1], $0xffff  }
0x29: {  	v2 =	vmax.f32 v2, v6;
	v6 =	vld.idx.msk [tilespmem:v1+s18+$0x0 ss:$0x1], $0xffff  }
0x2a: {  	v2 =	vmax.f32 v2, v7;
	v7 =	vld.idx.msk [tilespmem:v1+s18+$0x80 ss:$0x1], $0xffff  }
0x2b: {  	v2 =	vmax.f32 v2, v8;
	v8 =	vld.idx.msk [tilespmem:v1+s18+$0x100 ss:$0x1], $0xffff  }
0x2c: {  	v2 =	vmax.f32 v2, v3;
	v3 =	vld.idx.msk [tilespmem:v1+s18+$0x180 ss:$0x1], $0xffff  }
0x2d: {  	v2 =	vmax.f32 v2, v4;
	v4 =	vld.idx.msk [tilespmem:v1+s18+$0x200 ss:$0x1], $0xffff  }
0x2e: {  	v2 =	vmax.f32 v2, v5;
	v5 =	vld.idx.msk [tilespmem:v1+s18+$0x280 ss:$0x1], $0xffff  }
0x2f: {  	v2 =	vmax.f32 v2, v6;
	v6 =	vld.idx.msk [tilespmem:v1+s18+$0x300 ss:$0x1], $0xffff  }
0x30: {  	v2 =	vmax.f32 v2, v7;
	v7 =	vld.idx.msk [tilespmem:v1+s18+$0x380 ss:$0x1], $0xffff  }
0x31: {  	v2 =	vmax.f32 v2, v8;
	v8 =	vld.idx.msk [tilespmem:v1+s18+$0x400 ss:$0x1], $0xffff  }
0x32: {  	v2 =	vmax.f32 v2, v3;
	v3 =	vld.idx.msk [tilespmem:v1+s18+$0x480 ss:$0x1], $0xffff  }
0x33: {  	v2 =	vmax.f32 v2, v4;
	v4 =	vld.idx.msk [tilespmem:v1+s18+$0x500 ss:$0x1], $0xffff  }
0x34: {  	v2 =	vmax.f32 v2, v5;
	v5 =	vld.idx.msk [tilespmem:v1+s18+$0x580 ss:$0x1], $0xffff  }
0x35: {  	v2 =	vmax.f32 v2, v6;
	v6 =	vld.idx.msk [tilespmem:v1+s18+$0x600 ss:$0x1], $0xffff  }
0x36: {  	v2 =	vmax.f32 v2, v7;
	v7 =	vld.idx.msk [tilespmem:v1+s18+$0x680 ss:$0x1], $0xffff  }
0x37: {  	v2 =	vmax.f32 v2, v8;
	v8 =	vld.idx.msk [tilespmem:v1+s18+$0x700 ss:$0x1], $0xffff  }
0x38: {  	v2 =	vmax.f32 v2, v3;
	v3 =	vld.idx.msk [tilespmem:v1+s18+$0x780 ss:$0x1], $0xffff  }
0x39: {  	v2 =	vmax.f32 v2, v4  }
0x3a: {  	v2 =	vmax.f32 v2, v5  }
0x3b: {  	v2 =	vmax.f32 v2, v6  }
.Ltmp0:
0x3c: {  	v2 =	vmax.f32 v2, v7;
	(pc) =	sbr.rel @p0 .LBB2_4-.Ltmp0, $4  }
0x3d: {  	v2 =	vmax.f32 v2, v8  }
0x3e: {  	v2 =	vmax.f32 v2, v3  }
0x3f: {  	[tilespmem:v0+s18+$0x0 ss:$0x1] =	vst.idx.msk $0xffff, v2;
	s18 =	sshra.s32 s19, $0x2  }
0x40: {  	s19 =	sadd.s32 $0x40, s19;
	v2 =	vld.idx.msk [tilespmem:v1+s18+$0xFFFFF880 ss:$0x1], $0xffff  }
0x41: {  	_ =	sdelay $0x3  }
0x42: {  	v3 =	vld.idx.msk [tilespmem:v1+s18+$0xFFFFF800 ss:$0x1], $0xffff  }
0x43: {  	v4 =	vld.idx.msk [tilespmem:v1+s18+$0xFFFFF900 ss:$0x1], $0xffff  }
0x44: {  	v5 =	vld.idx.msk [tilespmem:v1+s18+$0xFFFFF980 ss:$0x1], $0xffff  }
0x45: {  	v6 =	vld.idx.msk [tilespmem:v1+s18+$0xFFFFFA00 ss:$0x1], $0xffff  }
0x46: {  	v7 =	vld.idx.msk [tilespmem:v1+s18+$0xFFFFFA80 ss:$0x1], $0xffff  }
0x47: {  	v8 =	vld.idx.msk [tilespmem:v1+s18+$0xFFFFFB00 ss:$0x1], $0xffff;
	v2 =	vmax.f32 v3, v2  }
0x48: {  	v39 =	vld.idx.msk [tilespmem:v1+s18+$0xFFFFFB80 ss:$0x1], $0xffff;
	v2 =	vmax.f32 v2, v4  }
0x49: {  	v40 =	vld.idx.msk [tilespmem:v1+s18+$0xFFFFFC00 ss:$0x1], $0xffff;
	v2 =	vmax.f32 v2, v5  }
0x4a: {  	v41 =	vld.idx.msk [tilespmem:v1+s18+$0xFFFFFC80 ss:$0x1], $0xffff;
	v2 =	vmax.f32 v2, v6  }
0x4b: {  	v42 =	vld.idx.msk [tilespmem:v1+s18+$0xFFFFFD00 ss:$0x1], $0xffff;
	v2 =	vmax.f32 v2, v7  }
0x4c: {  	v43 =	vld.idx.msk [tilespmem:v1+s18+$0xFFFFFD80 ss:$0x1], $0xffff;
	v2 =	vmax.f32 v2, v8  }
0x4d: {  	v44 =	vld.idx.msk [tilespmem:v1+s18+$0xFFFFFE00 ss:$0x1], $0xffff;
	v2 =	vmax.f32 v2, v39  }
0x4e: {  	v45 =	vld.idx.msk [tilespmem:v1+s18+$0xFFFFFE80 ss:$0x1], $0xffff;
	v2 =	vmax.f32 v2, v40  }
0x4f: {  	v46 =	vld.idx.msk [tilespmem:v1+s18+$0xFFFFFF00 ss:$0x1], $0xffff;
	v2 =	vmax.f32 v2, v41  }
0x50: {  	v47 =	vld.idx.msk [tilespmem:v1+s18+$0xFFFFFF80 ss:$0x1], $0xffff;
	v2 =	vmax.f32 v2, v42  }
0x51: {  	v48 =	vld.idx.msk [tilespmem:v1+s18+$0x0 ss:$0x1], $0xffff;
	v2 =	vmax.f32 v2, v43  }
0x52: {  	v49 =	vld.idx.msk [tilespmem:v1+s18+$0x80 ss:$0x1], $0xffff;
	v2 =	vmax.f32 v2, v44  }
0x53: {  	v50 =	vld.idx.msk [tilespmem:v1+s18+$0x100 ss:$0x1], $0xffff;
	v2 =	vmax.f32 v2, v45  }
0x54: {  	v51 =	vld.idx.msk [tilespmem:v1+s18+$0x180 ss:$0x1], $0xffff;
	v2 =	vmax.f32 v2, v46  }
0x55: {  	v52 =	vld.idx.msk [tilespmem:v1+s18+$0x200 ss:$0x1], $0xffff;
	v2 =	vmax.f32 v2, v47  }
0x56: {  	v53 =	vld.idx.msk [tilespmem:v1+s18+$0x280 ss:$0x1], $0xffff;
	v2 =	vmax.f32 v2, v48  }
0x57: {  	v54 =	vld.idx.msk [tilespmem:v1+s18+$0x300 ss:$0x1], $0xffff;
	v2 =	vmax.f32 v2, v49  }
0x58: {  	v55 =	vld.idx.msk [tilespmem:v1+s18+$0x380 ss:$0x1], $0xffff;
	v2 =	vmax.f32 v2, v50  }
0x59: {  	v56 =	vld.idx.msk [tilespmem:v1+s18+$0x400 ss:$0x1], $0xffff;
	v2 =	vmax.f32 v2, v51  }
0x5a: {  	v57 =	vld.idx.msk [tilespmem:v1+s18+$0x480 ss:$0x1], $0xffff;
	v2 =	vmax.f32 v2, v52  }
0x5b: {  	v58 =	vld.idx.msk [tilespmem:v1+s18+$0x500 ss:$0x1], $0xffff;
	v2 =	vmax.f32 v2, v53  }
0x5c: {  	v59 =	vld.idx.msk [tilespmem:v1+s18+$0x580 ss:$0x1], $0xffff;
	v2 =	vmax.f32 v2, v54  }
0x5d: {  	v60 =	vld.idx.msk [tilespmem:v1+s18+$0x600 ss:$0x1], $0xffff;
	v2 =	vmax.f32 v2, v55  }
0x5e: {  	v61 =	vld.idx.msk [tilespmem:v1+s18+$0x680 ss:$0x1], $0xffff;
	v2 =	vmax.f32 v2, v56  }
0x5f: {  	v62 =	vld.idx.msk [tilespmem:v1+s18+$0x700 ss:$0x1], $0xffff;
	v2 =	vmax.f32 v2, v57  }
0x60: {  	v63 =	vld.idx.msk [tilespmem:v1+s18+$0x780 ss:$0x1], $0xffff;
	s15 =	sadd.s32 $0x1, s15;
	v2 =	vmax.f32 v2, v58  }
0x61: {  	p0 =	sne.s32 s15, $0x10;
	v2 =	vmax.f32 v2, v59  }
.Ltmp1:
0x62: {  	v2 =	vmax.f32 v2, v60;
	(pc) =	sbr.rel @p0 .LBB2_3-.Ltmp1, $4  }
0x63: {  	v2 =	vmax.f32 v2, v61  }
0x64: {  	v2 =	vmax.f32 v2, v62  }
0x65: {  	v1 =	vmax.f32 v2, v63  }
0x66: {  	s16 =	sadd.s32 $0x80, s16;
	s17 =	sadd.s32 $0x1000, s17;
	[tilespmem:v0+s18+$0x0 ss:$0x1] =	vst.idx.msk $0xffff, v1  }
0x67: {  	s13 =	sadd.s32 $0x1, s13  }
0x68: {  	s14 =	sshll.u32 s14, $0x4;
	p0 =	sne.s32 s13, $0x10  }
.Ltmp2:
0x69: {  	s14 =	sadd.s32 s3, s14;
	(pc) =	sbr.rel @p0 .LBB2_2-.Ltmp2, $4  }
0x6a: {  	[hbm4b:s14+s5] =	stream.linear.scatter [tilespmem:s11], [sflag:$0x2], $0x800, $0x38;
	[tilespmem:$0x10A00] =	vst v63  }
0x6b: {  	_ =	swait.ge [sflag:s8], $0x800  }
0x6c: {  	[sflag:s8] =	ssyncset.done $0x0  }
0x6d: {  	[sflag:s8] =	ssyncadd.s32 $0xFFFFF800  }
0x6e: {  	s12 =	sadd.s32 $0x1, s12  }
0x6f: {  	p0 =	sne.s32 s12, s7  }
.Ltmp3:
0x70: {  	_ = 	snop;
	(pc) =	sbr.rel @p0 .LBB2_1-.Ltmp3, $1  }
0x71: {  	_ =	sdelay $0x3  }
0x72: {  	_ =	sfence.sel $0x180000  }
0x73: {  	[bflag:$0x0] =	sbarrier.arrive $0xFFFF  }
0x74: {  	p0 =	sne.s32 s4, $0x0;
	_ =	strace $0x90000047  }
0x75: {  	s0 =	sadd.s32 @!p0 $0x100000, s0;
	[bflag:$0x2] =	sbarrier.arrive $0xFFFF  }
0x76: {  	[sflag:s0] =	ssyncadd.tile.s32 @!p0 $0x1;
	_ =	shalt  }
.Lfunc_end2:
_tile_overlayer_lowered:
.L_overlay_start_2:
0x77: {  	(tag) =	ssettag $0x2  }
0x78: {  	s0 =	rddreg [dreg:$0x0];
	s2 =	stileid.u32  }
0x79: {  	s1 =	rddreg [dreg:$0x1];
	p0 =	sne.s32 s2, $0x0  }
0x7a: {  	s3 =	rddreg [dreg:$0x2];
	[bflag:$0x3] =	sbarrier.arrive $0xFFFF;
	s2 =	simm.s32 @!p0 $0x1C02  }
0x7b: {  	[timem:s3], [sflag:s2] =	dma.local @!p0 [hbm:s0], s1  }
0x7c: {  	s0 =	simm.s32 @!p0 $0x2  }
0x7d: {  	_ =	swait.ge @!p0 [sflag:s0], s1  }
0x7e: {  	s1 =	ssub.s32 @!p0 $0x0, s1;
	[sflag:s0] =	ssyncset.done @!p0 $0x0  }
0x7f: {  	[sflag:s0] =	ssyncadd.s32 @!p0 s1  }
0x80: {  	[bflag:$0x3] =	sbarrier.arrive $0xFFFF  }
0x81: {  	_ =	shalt  }

</sc_bundles>
